<compile_context>
chip_gen: v7x
topology: tpu7x:2x2x1
jax: 0.10.2.dev20260603
libtpu: 0.0.44.dev20260713+nightly
codegen_flags: <defaults>
</compile_context>

<pallas_src>
import functools

import jax
import jax.numpy as jnp
from jax import lax
from jax.experimental import pallas as pl
from jax.experimental.pallas import tpu as pltpu
from jax.experimental.pallas import tpu_sc as plsc

C = 1000
BW = 128


def kernel(x):
    B, S = x.shape
    N = B * S
    xt = jnp.transpose(x).astype(jnp.int32).reshape(N)

    info = plsc.get_sparse_core_info()
    NC, NS, L = info.num_cores, info.num_subcores, info.num_lanes
    NW = NC * NS
    NGROUP = S * (B // BW)
    GPW = NGROUP // NW
    NBC = B // BW

    mesh = plsc.VectorSubcoreMesh(core_axis_name="c", subcore_axis_name="s")

    @functools.partial(
        pl.kernel,
        mesh=mesh,
        compiler_params=pltpu.CompilerParams(
            needs_layout_passes=False, use_tc_tiling_on_sc=True
        ),
        out_type=jax.ShapeDtypeStruct((S * C, B), jnp.float32),
        scratch_types=[
            pltpu.VMEM((BW,), jnp.int32),
            pltpu.VMEM((BW,), jnp.int32),
            pltpu.VMEM((C, BW), jnp.float32),
            pltpu.SemaphoreType.DMA,
            pltpu.SemaphoreType.DMA,
        ],
    )
    def k(xt_hbm, out_hbm, idx_a, idx_b, buf_v, sem_big, sem_idx):
        wid = lax.axis_index("s") * NC + lax.axis_index("c")
        idx_bufs = (idx_a, idx_b)

        zeros = jnp.zeros((L,), jnp.float32)
        ones = jnp.ones((L,), jnp.float32)
        lane = lax.iota(jnp.int32, L)

        def zbody(c, carry):
            for r in range(BW // L):
                buf_v[c, pl.ds(r * L, L)] = zeros
            return carry

        lax.fori_loop(0, C, zbody, 0)

        def scatter_group(idx_v, val):
            for r in range(BW // L):
                cols = lane + r * L
                rows = idx_v[pl.ds(r * L, L)]
                plsc.store_scatter(buf_v, [rows, cols], val)

        def idx_dma(g, idx_v):
            return pltpu.make_async_copy(
                xt_hbm.at[pl.ds((wid * GPW + g) * BW, BW)], idx_v, sem_idx
            )

        idx_dma(0, idx_bufs[0]).start()
        idx_dma(0, idx_bufs[0]).wait()

        def gbody(i, carry):
            for p in range(2):
                g = i * 2 + p
                gidx = wid * GPW + g
                s = gidx // NBC
                bc = gidx % NBC
                cur, nxt = idx_bufs[p], idx_bufs[1 - p]

                @pl.when(g + 1 < GPW)
                def _():
                    idx_dma(g + 1, nxt).start()

                scatter_group(cur, ones)
                pltpu.async_copy(
                    buf_v,
                    out_hbm.at[pl.ds(s * C, C), pl.ds(bc * BW, BW)],
                    sem_big,
                ).wait()
                scatter_group(cur, zeros)

                @pl.when(g + 1 < GPW)
                def _():
                    idx_dma(g + 1, nxt).wait()

            return carry

        lax.fori_loop(0, GPW // 2, gbody, 0)

    out = k(xt)
    return jnp.transpose(out.reshape(S, C, B), (2, 0, 1))

# --- scband reference (transcript-rebuilt; emitter-appended) ---
"""Pipeline reference for scband-one-hot-encoder-4415226380574 (READ-ONLY COPY).

The authoritative reference and input builder live on the scoring server;
editing this copy changes nothing except your own understanding.
"""

import jax, jax.numpy as jnp
import numpy as np

NUM_CLASSES = 1000

def setup_inputs(seed: int = 0) -> dict:
    key = jax.random.key(seed)
    x = jax.random.randint(key, (1024, 200), 0, NUM_CLASSES, dtype=jnp.int64)
    return {"x": x}

def reference(x):
    batch_size, seq_length = x.shape
    res = jnp.zeros((batch_size, seq_length, NUM_CLASSES), dtype=jnp.float32)
    b_idx = jnp.arange(batch_size)[:, None]
    s_idx = jnp.arange(seq_length)[None, :]
    # scatter-overwrite of 1.0 along the class dimension (dim=2), faithful to torch scatter_
    res = res.at[b_idx, s_idx, x].set(1.0)
    return res

if __name__ == "__main__":
    import jax
    _d = setup_inputs()
    print(jax.jit(kernel)(*tuple(_d.values())))

</pallas_src>

<mosaic_0001>
#map = affine_map<(d0, d1) -> (0)>
#map1 = affine_map<(d0, d1) -> (0, 0)>
module attributes {stable_mosaic.version = 14 : i64} {
  func.func @k(%arg0: i32, %arg1: i32, %arg2: memref<204800xi32, #tpu.memory_space<hbm>>, %arg3: memref<200000x1024xf32, #tpu.memory_space<hbm>>, %arg4: memref<128xi32, #tpu.memory_space<vmem>>, %arg5: memref<128xi32, #tpu.memory_space<vmem>>, %arg6: memref<1000x128xf32, #tpu.memory_space<vmem>>, %arg7: memref<!tpu.dma_semaphore, #tpu.memory_space<semaphore_mem>>, %arg8: memref<!tpu.dma_semaphore, #tpu.memory_space<semaphore_mem>>) attributes {dimension_semantics = [#tpu.dimension_semantics<core_parallel>, #tpu.dimension_semantics<subcore_parallel>], iteration_bounds = array<i64: 2, 16>, scalar_prefetch = 0 : i64, scratch_operands = 5 : i64, tpu.core_type = #tpu.core_type<sc_vector_subcore>, window_params = [{transform_indices = #map}, {transform_indices = #map1}]} {
    %mul3A = arith.constant 2 : i32
    %mul3A_0 = arith.muli %arg1, %mul3A : i32
    %add3A = arith.addi %mul3A_0, %arg0 : i32
    %broadcast_in_dim3A = arith.constant 0.000000e+00 : f32
    %broadcast_in_dim3A_1 = vector.broadcast %broadcast_in_dim3A : f32 to vector<16xf32>
    %broadcast_in_dim3A_2 = arith.constant 1.000000e+00 : f32
    %broadcast_in_dim3A_3 = vector.broadcast %broadcast_in_dim3A_2 : f32 to vector<16xf32>
    %iota3A = tpu.iota {dimensions = array<i32: 0>} : vector<16xi32>
    %scan3A = arith.constant 0 : i32
    %scan3A_4 = arith.constant 0 : i32
    %scan3A_5 = arith.constant 1000 : i32
    %scan3A_6 = arith.addi %scan3A_4, %scan3A_5 : i32
    %scan3A_7 = arith.constant 1 : i32
    scf.for %scan3A_29 = %scan3A_4 to %scan3A_6 step %scan3A_7  : i32 {
      %swap3A = arith.index_cast %scan3A_29 : i32 to index
      %swap3A_30 = arith.constant 0 : index
      %swap3A_31 = tpu.vector_load %arg6[%swap3A, %swap3A_30] {strides = array<i32>} : memref<1000x128xf32, #tpu.memory_space<vmem>>, vector<16xf32>,
      tpu.vector_store %arg6[%swap3A, %swap3A_30], %broadcast_in_dim3A_1 {strides = array<i32>} : memref<1000x128xf32, #tpu.memory_space<vmem>>, vector<16xf32>,
      %swap3A_32 = arith.index_cast %scan3A_29 : i32 to index
      %swap3A_33 = arith.constant 16 : index
      %swap3A_34 = tpu.vector_load %arg6[%swap3A_32, %swap3A_33] {strides = array<i32>} : memref<1000x128xf32, #tpu.memory_space<vmem>>, vector<16xf32>,
      tpu.vector_store %arg6[%swap3A_32, %swap3A_33], %broadcast_in_dim3A_1 {strides = array<i32>} : memref<1000x128xf32, #tpu.memory_space<vmem>>, vector<16xf32>,
      %swap3A_35 = arith.index_cast %scan3A_29 : i32 to index
      %swap3A_36 = arith.constant 32 : index
      %swap3A_37 = tpu.vector_load %arg6[%swap3A_35, %swap3A_36] {strides = array<i32>} : memref<1000x128xf32, #tpu.memory_space<vmem>>, vector<16xf32>,
      tpu.vector_store %arg6[%swap3A_35, %swap3A_36], %broadcast_in_dim3A_1 {strides = array<i32>} : memref<1000x128xf32, #tpu.memory_space<vmem>>, vector<16xf32>,
      %swap3A_38 = arith.index_cast %scan3A_29 : i32 to index
      %swap3A_39 = arith.constant 48 : index
      %swap3A_40 = tpu.vector_load %arg6[%swap3A_38, %swap3A_39] {strides = array<i32>} : memref<1000x128xf32, #tpu.memory_space<vmem>>, vector<16xf32>,
      tpu.vector_store %arg6[%swap3A_38, %swap3A_39], %broadcast_in_dim3A_1 {strides = array<i32>} : memref<1000x128xf32, #tpu.memory_space<vmem>>, vector<16xf32>,
      %swap3A_41 = arith.index_cast %scan3A_29 : i32 to index
      %swap3A_42 = arith.constant 64 : index
      %swap3A_43 = tpu.vector_load %arg6[%swap3A_41, %swap3A_42] {strides = array<i32>} : memref<1000x128xf32, #tpu.memory_space<vmem>>, vector<16xf32>,
      tpu.vector_store %arg6[%swap3A_41, %swap3A_42], %broadcast_in_dim3A_1 {strides = array<i32>} : memref<1000x128xf32, #tpu.memory_space<vmem>>, vector<16xf32>,
      %swap3A_44 = arith.index_cast %scan3A_29 : i32 to index
      %swap3A_45 = arith.constant 80 : index
      %swap3A_46 = tpu.vector_load %arg6[%swap3A_44, %swap3A_45] {strides = array<i32>} : memref<1000x128xf32, #tpu.memory_space<vmem>>, vector<16xf32>,
      tpu.vector_store %arg6[%swap3A_44, %swap3A_45], %broadcast_in_dim3A_1 {strides = array<i32>} : memref<1000x128xf32, #tpu.memory_space<vmem>>, vector<16xf32>,
      %swap3A_47 = arith.index_cast %scan3A_29 : i32 to index
      %swap3A_48 = arith.constant 96 : index
      %swap3A_49 = tpu.vector_load %arg6[%swap3A_47, %swap3A_48] {strides = array<i32>} : memref<1000x128xf32, #tpu.memory_space<vmem>>, vector<16xf32>,
      tpu.vector_store %arg6[%swap3A_47, %swap3A_48], %broadcast_in_dim3A_1 {strides = array<i32>} : memref<1000x128xf32, #tpu.memory_space<vmem>>, vector<16xf32>,
      %swap3A_50 = arith.index_cast %scan3A_29 : i32 to index
      %swap3A_51 = arith.constant 112 : index
      %swap3A_52 = tpu.vector_load %arg6[%swap3A_50, %swap3A_51] {strides = array<i32>} : memref<1000x128xf32, #tpu.memory_space<vmem>>, vector<16xf32>,
      tpu.vector_store %arg6[%swap3A_50, %swap3A_51], %broadcast_in_dim3A_1 {strides = array<i32>} : memref<1000x128xf32, #tpu.memory_space<vmem>>, vector<16xf32>,
    }
    %scan3A_8 = arith.constant 1000 : i32
    %mul3A_9 = arith.constant 50 : i32
    %mul3A_10 = arith.muli %add3A, %mul3A_9 : i32
    %add3A_11 = arith.constant 0 : i32
    %add3A_12 = arith.addi %mul3A_10, %add3A_11 : i32
    %mul3A_13 = arith.constant 128 : i32
    %mul3A_14 = arith.muli %add3A_12, %mul3A_13 : i32
    %dma_start3A = tpu.memref_slice %arg2[%mul3A_14] : memref<204800xi32, #tpu.memory_space<hbm>> -> memref<128xi32, #tpu.memory_space<hbm>>
    %dma_start3A_15 = tpu.memref_slice %arg2[%mul3A_14] : memref<204800xi32, #tpu.memory_space<hbm>> -> memref<128xi32, #tpu.memory_space<hbm>>
    tpu.enqueue_dma source(%dma_start3A_15 : memref<128xi32, #tpu.memory_space<hbm>>) target(%arg4 : memref<128xi32, #tpu.memory_space<vmem>>) target_semaphore(%arg8 : memref<!tpu.dma_semaphore, #tpu.memory_space<semaphore_mem>>)
    %mul3A_16 = arith.constant 50 : i32
    %mul3A_17 = arith.muli %add3A, %mul3A_16 : i32
    %add3A_18 = arith.constant 0 : i32
    %add3A_19 = arith.addi %mul3A_17, %add3A_18 : i32
    %mul3A_20 = arith.constant 128 : i32
    %mul3A_21 = arith.muli %add3A_19, %mul3A_20 : i32
    %dma_wait3A = tpu.memref_slice %arg2[%mul3A_21] : memref<204800xi32, #tpu.memory_space<hbm>> -> memref<128xi32, #tpu.memory_space<hbm>>
    %dma_wait3A_22 = tpu.memref_slice %arg2[%mul3A_21] : memref<204800xi32, #tpu.memory_space<hbm>> -> memref<128xi32, #tpu.memory_space<hbm>>
    tpu.wait_dma2 semaphore(%arg8 : memref<!tpu.dma_semaphore, #tpu.memory_space<semaphore_mem>>) src(%dma_wait3A_22 : memref<128xi32, #tpu.memory_space<hbm>>) dst(%arg4 : memref<128xi32, #tpu.memory_space<vmem>>)
    %scan3A_23 = arith.constant 0 : i32
    %scan3A_24 = arith.constant 0 : i32
    %scan3A_25 = arith.constant 25 : i32
    %scan3A_26 = arith.addi %scan3A_24, %scan3A_25 : i32
    %scan3A_27 = arith.constant 1 : i32
    scf.for %scan3A_29 = %scan3A_24 to %scan3A_26 step %scan3A_27  : i32 {
      %mul3A_30 = arith.constant 2 : i32
      %mul3A_31 = arith.muli %scan3A_29, %mul3A_30 : i32
      %add3A_32 = arith.constant 0 : i32
      %add3A_33 = arith.addi %mul3A_31, %add3A_32 : i32
      %mul3A_34 = arith.constant 50 : i32
      %mul3A_35 = arith.muli %add3A, %mul3A_34 : i32
      %add3A_36 = arith.addi %mul3A_35, %add3A_33 : i32
      %jit3A = arith.constant 8 : i32
      %div3A = arith.divsi %add3A_36, %jit3A : i32
      %sign3A = arith.constant 0 : i32
      %sign3A_37 = arith.cmpi sgt, %add3A_36, %sign3A : i32
      %sign3A_38 = arith.extui %sign3A_37 : i1 to i32
      %sign3A_39 = arith.constant 0 : i32
      %sign3A_40 = arith.cmpi slt, %add3A_36, %sign3A_39 : i32
      %sign3A_41 = arith.extui %sign3A_40 : i1 to i32
      %sign3A_42 = arith.subi %sign3A_38, %sign3A_41 : i32
      %sign3A_43 = arith.constant 0 : i32
      %sign3A_44 = arith.cmpi sgt, %jit3A, %sign3A_43 : i32
      %sign3A_45 = arith.extui %sign3A_44 : i1 to i32
      %sign3A_46 = arith.constant 0 : i32
      %sign3A_47 = arith.cmpi slt, %jit3A, %sign3A_46 : i32
      %sign3A_48 = arith.extui %sign3A_47 : i1 to i32
      %sign3A_49 = arith.subi %sign3A_45, %sign3A_48 : i32
      %ne3A = arith.cmpi ne, %sign3A_42, %sign3A_49 : i32
      %rem3A = arith.remsi %add3A_36, %jit3A : i32
      %ne3A_50 = arith.constant 0 : i32
      %ne3A_51 = arith.cmpi ne, %rem3A, %ne3A_50 : i32
      %and3A = arith.andi %ne3A, %ne3A_51 : i1
      %sub3A = arith.constant 1 : i32
      %sub3A_52 = arith.subi %div3A, %sub3A : i32
      %select_n3A = arith.select %and3A, %sub3A_52, %div3A : i32
      %jit3A_53 = arith.constant 8 : i32
      %eq3A = arith.constant 0 : i32
      %eq3A_54 = arith.cmpi eq, %jit3A_53, %eq3A : i32
      %jit3A_55 = arith.constant 1 : i32
      %select_n3A_56 = arith.select %eq3A_54, %jit3A_55, %jit3A_53 : i32
      %rem3A_57 = arith.remsi %add3A_36, %select_n3A_56 : i32
      %ne3A_58 = arith.constant 0 : i32
      %ne3A_59 = arith.cmpi ne, %rem3A_57, %ne3A_58 : i32
      %lt3A = arith.constant 0 : i32
      %lt3A_60 = arith.cmpi slt, %rem3A_57, %lt3A : i32
      %lt3A_61 = arith.constant 0 : i32
      %lt3A_62 = arith.cmpi slt, %select_n3A_56, %lt3A_61 : i32
      %ne3A_63 = arith.xori %lt3A_60, %lt3A_62 : i1
      %and3A_64 = arith.andi %ne3A_63, %ne3A_59 : i1
      %add3A_65 = arith.addi %rem3A_57, %select_n3A_56 : i32
      %select_n3A_66 = arith.select %and3A_64, %add3A_65, %rem3A_57 : i32
      %add3A_67 = arith.constant 1 : i32
      %add3A_68 = arith.addi %add3A_33, %add3A_67 : i32
      %lt3A_69 = arith.constant 50 : i32
      %lt3A_70 = arith.cmpi slt, %add3A_68, %lt3A_69 : i32
      %convert_element_type3A = arith.extui %lt3A_70 : i1 to i32
      %cond3A = arith.constant 0 : i32
      %cond3A_71 = arith.cmpi ne, %convert_element_type3A, %cond3A : i32
      scf.if %cond3A_71 {
        %add3A_315 = arith.constant 1 : i32
        %add3A_316 = arith.addi %add3A_33, %add3A_315 : i32
        %mul3A_317 = arith.constant 50 : i32
        %mul3A_318 = arith.muli %add3A, %mul3A_317 : i32
        %add3A_319 = arith.addi %mul3A_318, %add3A_316 : i32
        %mul3A_320 = arith.constant 128 : i32
        %mul3A_321 = arith.muli %add3A_319, %mul3A_320 : i32
        %dma_start3A_322 = tpu.memref_slice %arg2[%mul3A_321] : memref<204800xi32, #tpu.memory_space<hbm>> -> memref<128xi32, #tpu.memory_space<hbm>>
        %dma_start3A_323 = tpu.memref_slice %arg2[%mul3A_321] : memref<204800xi32, #tpu.memory_space<hbm>> -> memref<128xi32, #tpu.memory_space<hbm>>
        tpu.enqueue_dma source(%dma_start3A_323 : memref<128xi32, #tpu.memory_space<hbm>>) target(%arg5 : memref<128xi32, #tpu.memory_space<vmem>>) target_semaphore(%arg8 : memref<!tpu.dma_semaphore, #tpu.memory_space<semaphore_mem>>)
      } else {
      }
      %add3A_72 = arith.constant 0 : i32
      %add3A_73 = vector.broadcast %add3A_72 : i32 to vector<16xi32>
      %add3A_74 = arith.addi %iota3A, %add3A_73 : vector<16xi32>
      %get3A = arith.constant 0 : index
      %get3A_75 = tpu.vector_load %arg4[%get3A] {strides = array<i32>} : memref<128xi32, #tpu.memory_space<vmem>>, vector<16xi32>,
      tpu.vector_store_idx %arg6[%get3A_75, %add3A_74], %broadcast_in_dim3A_3 : memref<1000x128xf32, #tpu.memory_space<vmem>>[vector<16xi32>, vector<16xi32>], vector<16xf32>,
      %add3A_76 = arith.constant 16 : i32
      %add3A_77 = vector.broadcast %add3A_76 : i32 to vector<16xi32>
      %add3A_78 = arith.addi %iota3A, %add3A_77 : vector<16xi32>
      %get3A_79 = arith.constant 16 : index
      %get3A_80 = tpu.vector_load %arg4[%get3A_79] {strides = array<i32>} : memref<128xi32, #tpu.memory_space<vmem>>, vector<16xi32>,
      tpu.vector_store_idx %arg6[%get3A_80, %add3A_78], %broadcast_in_dim3A_3 : memref<1000x128xf32, #tpu.memory_space<vmem>>[vector<16xi32>, vector<16xi32>], vector<16xf32>,
      %add3A_81 = arith.constant 32 : i32
      %add3A_82 = vector.broadcast %add3A_81 : i32 to vector<16xi32>
      %add3A_83 = arith.addi %iota3A, %add3A_82 : vector<16xi32>
      %get3A_84 = arith.constant 32 : index
      %get3A_85 = tpu.vector_load %arg4[%get3A_84] {strides = array<i32>} : memref<128xi32, #tpu.memory_space<vmem>>, vector<16xi32>,
      tpu.vector_store_idx %arg6[%get3A_85, %add3A_83], %broadcast_in_dim3A_3 : memref<1000x128xf32, #tpu.memory_space<vmem>>[vector<16xi32>, vector<16xi32>], vector<16xf32>,
      %add3A_86 = arith.constant 48 : i32
      %add3A_87 = vector.broadcast %add3A_86 : i32 to vector<16xi32>
      %add3A_88 = arith.addi %iota3A, %add3A_87 : vector<16xi32>
      %get3A_89 = arith.constant 48 : index
      %get3A_90 = tpu.vector_load %arg4[%get3A_89] {strides = array<i32>} : memref<128xi32, #tpu.memory_space<vmem>>, vector<16xi32>,
      tpu.vector_store_idx %arg6[%get3A_90, %add3A_88], %broadcast_in_dim3A_3 : memref<1000x128xf32, #tpu.memory_space<vmem>>[vector<16xi32>, vector<16xi32>], vector<16xf32>,
      %add3A_91 = arith.constant 64 : i32
      %add3A_92 = vector.broadcast %add3A_91 : i32 to vector<16xi32>
      %add3A_93 = arith.addi %iota3A, %add3A_92 : vector<16xi32>
      %get3A_94 = arith.constant 64 : index
      %get3A_95 = tpu.vector_load %arg4[%get3A_94] {strides = array<i32>} : memref<128xi32, #tpu.memory_space<vmem>>, vector<16xi32>,
      tpu.vector_store_idx %arg6[%get3A_95, %add3A_93], %broadcast_in_dim3A_3 : memref<1000x128xf32, #tpu.memory_space<vmem>>[vector<16xi32>, vector<16xi32>], vector<16xf32>,
      %add3A_96 = arith.constant 80 : i32
      %add3A_97 = vector.broadcast %add3A_96 : i32 to vector<16xi32>
      %add3A_98 = arith.addi %iota3A, %add3A_97 : vector<16xi32>
      %get3A_99 = arith.constant 80 : index
      %get3A_100 = tpu.vector_load %arg4[%get3A_99] {strides = array<i32>} : memref<128xi32, #tpu.memory_space<vmem>>, vector<16xi32>,
      tpu.vector_store_idx %arg6[%get3A_100, %add3A_98], %broadcast_in_dim3A_3 : memref<1000x128xf32, #tpu.memory_space<vmem>>[vector<16xi32>, vector<16xi32>], vector<16xf32>,
      %add3A_101 = arith.constant 96 : i32
      %add3A_102 = vector.broadcast %add3A_101 : i32 to vector<16xi32>
      %add3A_103 = arith.addi %iota3A, %add3A_102 : vector<16xi32>
      %get3A_104 = arith.constant 96 : index
      %get3A_105 = tpu.vector_load %arg4[%get3A_104] {strides = array<i32>} : memref<128xi32, #tpu.memory_space<vmem>>, vector<16xi32>,
      tpu.vector_store_idx %arg6[%get3A_105, %add3A_103], %broadcast_in_dim3A_3 : memref<1000x128xf32, #tpu.memory_space<vmem>>[vector<16xi32>, vector<16xi32>], vector<16xf32>,
      %add3A_106 = arith.constant 112 : i32
      %add3A_107 = vector.broadcast %add3A_106 : i32 to vector<16xi32>
      %add3A_108 = arith.addi %iota3A, %add3A_107 : vector<16xi32>
      %get3A_109 = arith.constant 112 : index
      %get3A_110 = tpu.vector_load %arg4[%get3A_109] {strides = array<i32>} : memref<128xi32, #tpu.memory_space<vmem>>, vector<16xi32>,
      tpu.vector_store_idx %arg6[%get3A_110, %add3A_108], %broadcast_in_dim3A_3 : memref<1000x128xf32, #tpu.memory_space<vmem>>[vector<16xi32>, vector<16xi32>], vector<16xf32>,
      %mul3A_111 = arith.constant 1000 : i32
      %mul3A_112 = arith.muli %select_n3A, %mul3A_111 : i32
      %mul3A_113 = arith.constant 128 : i32
      %mul3A_114 = arith.muli %select_n3A_66, %mul3A_113 : i32
      %dma_start3A_115 = tpu.memref_slice %arg3[%mul3A_112, %mul3A_114] : memref<200000x1024xf32, #tpu.memory_space<hbm>> -> memref<1000x128xf32, #tpu.memory_space<hbm>>
      %dma_start3A_116 = tpu.memref_slice %arg3[%mul3A_112, %mul3A_114] : memref<200000x1024xf32, #tpu.memory_space<hbm>> -> memref<1000x128xf32, #tpu.memory_space<hbm>>
      tpu.enqueue_dma source(%arg6 : memref<1000x128xf32, #tpu.memory_space<vmem>>) target(%dma_start3A_116 : memref<1000x128xf32, #tpu.memory_space<hbm>>) target_semaphore(%arg7 : memref<!tpu.dma_semaphore, #tpu.memory_space<semaphore_mem>>)
      %dma_wait3A_117 = tpu.memref_slice %arg3[%mul3A_112, %mul3A_114] : memref<200000x1024xf32, #tpu.memory_space<hbm>> -> memref<1000x128xf32, #tpu.memory_space<hbm>>
      %dma_wait3A_118 = tpu.memref_slice %arg3[%mul3A_112, %mul3A_114] : memref<200000x1024xf32, #tpu.memory_space<hbm>> -> memref<1000x128xf32, #tpu.memory_space<hbm>>
      tpu.wait_dma2 semaphore(%arg7 : memref<!tpu.dma_semaphore, #tpu.memory_space<semaphore_mem>>) src(%arg6 : memref<1000x128xf32, #tpu.memory_space<vmem>>) dst(%dma_wait3A_118 : memref<1000x128xf32, #tpu.memory_space<hbm>>)
      %add3A_119 = arith.constant 0 : i32
      %add3A_120 = vector.broadcast %add3A_119 : i32 to vector<16xi32>
      %add3A_121 = arith.addi %iota3A, %add3A_120 : vector<16xi32>
      %get3A_122 = arith.constant 0 : index
      %get3A_123 = tpu.vector_load %arg4[%get3A_122] {strides = array<i32>} : memref<128xi32, #tpu.memory_space<vmem>>, vector<16xi32>,
      tpu.vector_store_idx %arg6[%get3A_123, %add3A_121], %broadcast_in_dim3A_1 : memref<1000x128xf32, #tpu.memory_space<vmem>>[vector<16xi32>, vector<16xi32>], vector<16xf32>,
      %add3A_124 = arith.constant 16 : i32
      %add3A_125 = vector.broadcast %add3A_124 : i32 to vector<16xi32>
      %add3A_126 = arith.addi %iota3A, %add3A_125 : vector<16xi32>
      %get3A_127 = arith.constant 16 : index
      %get3A_128 = tpu.vector_load %arg4[%get3A_127] {strides = array<i32>} : memref<128xi32, #tpu.memory_space<vmem>>, vector<16xi32>,
      tpu.vector_store_idx %arg6[%get3A_128, %add3A_126], %broadcast_in_dim3A_1 : memref<1000x128xf32, #tpu.memory_space<vmem>>[vector<16xi32>, vector<16xi32>], vector<16xf32>,
      %add3A_129 = arith.constant 32 : i32
      %add3A_130 = vector.broadcast %add3A_129 : i32 to vector<16xi32>
      %add3A_131 = arith.addi %iota3A, %add3A_130 : vector<16xi32>
      %get3A_132 = arith.constant 32 : index
      %get3A_133 = tpu.vector_load %arg4[%get3A_132] {strides = array<i32>} : memref<128xi32, #tpu.memory_space<vmem>>, vector<16xi32>,
      tpu.vector_store_idx %arg6[%get3A_133, %add3A_131], %broadcast_in_dim3A_1 : memref<1000x128xf32, #tpu.memory_space<vmem>>[vector<16xi32>, vector<16xi32>], vector<16xf32>,
      %add3A_134 = arith.constant 48 : i32
      %add3A_135 = vector.broadcast %add3A_134 : i32 to vector<16xi32>
      %add3A_136 = arith.addi %iota3A, %add3A_135 : vector<16xi32>
      %get3A_137 = arith.constant 48 : index
      %get3A_138 = tpu.vector_load %arg4[%get3A_137] {strides = array<i32>} : memref<128xi32, #tpu.memory_space<vmem>>, vector<16xi32>,
      tpu.vector_store_idx %arg6[%get3A_138, %add3A_136], %broadcast_in_dim3A_1 : memref<1000x128xf32, #tpu.memory_space<vmem>>[vector<16xi32>, vector<16xi32>], vector<16xf32>,
      %add3A_139 = arith.constant 64 : i32
      %add3A_140 = vector.broadcast %add3A_139 : i32 to vector<16xi32>
      %add3A_141 = arith.addi %iota3A, %add3A_140 : vector<16xi32>
      %get3A_142 = arith.constant 64 : index
      %get3A_143 = tpu.vector_load %arg4[%get3A_142] {strides = array<i32>} : memref<128xi32, #tpu.memory_space<vmem>>, vector<16xi32>,
      tpu.vector_store_idx %arg6[%get3A_143, %add3A_141], %broadcast_in_dim3A_1 : memref<1000x128xf32, #tpu.memory_space<vmem>>[vector<16xi32>, vector<16xi32>], vector<16xf32>,
      %add3A_144 = arith.constant 80 : i32
      %add3A_145 = vector.broadcast %add3A_144 : i32 to vector<16xi32>
      %add3A_146 = arith.addi %iota3A, %add3A_145 : vector<16xi32>
      %get3A_147 = arith.constant 80 : index
      %get3A_148 = tpu.vector_load %arg4[%get3A_147] {strides = array<i32>} : memref<128xi32, #tpu.memory_space<vmem>>, vector<16xi32>,
      tpu.vector_store_idx %arg6[%get3A_148, %add3A_146], %broadcast_in_dim3A_1 : memref<1000x128xf32, #tpu.memory_space<vmem>>[vector<16xi32>, vector<16xi32>], vector<16xf32>,
      %add3A_149 = arith.constant 96 : i32
      %add3A_150 = vector.broadcast %add3A_149 : i32 to vector<16xi32>
      %add3A_151 = arith.addi %iota3A, %add3A_150 : vector<16xi32>
      %get3A_152 = arith.constant 96 : index
      %get3A_153 = tpu.vector_load %arg4[%get3A_152] {strides = array<i32>} : memref<128xi32, #tpu.memory_space<vmem>>, vector<16xi32>,
      tpu.vector_store_idx %arg6[%get3A_153, %add3A_151], %broadcast_in_dim3A_1 : memref<1000x128xf32, #tpu.memory_space<vmem>>[vector<16xi32>, vector<16xi32>], vector<16xf32>,
      %add3A_154 = arith.constant 112 : i32
      %add3A_155 = vector.broadcast %add3A_154 : i32 to vector<16xi32>
      %add3A_156 = arith.addi %iota3A, %add3A_155 : vector<16xi32>
      %get3A_157 = arith.constant 112 : index
      %get3A_158 = tpu.vector_load %arg4[%get3A_157] {strides = array<i32>} : memref<128xi32, #tpu.memory_space<vmem>>, vector<16xi32>,
      tpu.vector_store_idx %arg6[%get3A_158, %add3A_156], %broadcast_in_dim3A_1 : memref<1000x128xf32, #tpu.memory_space<vmem>>[vector<16xi32>, vector<16xi32>], vector<16xf32>,
      %add3A_159 = arith.constant 1 : i32
      %add3A_160 = arith.addi %add3A_33, %add3A_159 : i32
      %lt3A_161 = arith.constant 50 : i32
      %lt3A_162 = arith.cmpi slt, %add3A_160, %lt3A_161 : i32
      %convert_element_type3A_163 = arith.extui %lt3A_162 : i1 to i32
      %cond3A_164 = arith.constant 0 : i32
      %cond3A_165 = arith.cmpi ne, %convert_element_type3A_163, %cond3A_164 : i32
      scf.if %cond3A_165 {
        %add3A_315 = arith.constant 1 : i32
        %add3A_316 = arith.addi %add3A_33, %add3A_315 : i32
        %mul3A_317 = arith.constant 50 : i32
        %mul3A_318 = arith.muli %add3A, %mul3A_317 : i32
        %add3A_319 = arith.addi %mul3A_318, %add3A_316 : i32
        %mul3A_320 = arith.constant 128 : i32
        %mul3A_321 = arith.muli %add3A_319, %mul3A_320 : i32
        %dma_wait3A_322 = tpu.memref_slice %arg2[%mul3A_321] : memref<204800xi32, #tpu.memory_space<hbm>> -> memref<128xi32, #tpu.memory_space<hbm>>
        %dma_wait3A_323 = tpu.memref_slice %arg2[%mul3A_321] : memref<204800xi32, #tpu.memory_space<hbm>> -> memref<128xi32, #tpu.memory_space<hbm>>
        tpu.wait_dma2 semaphore(%arg8 : memref<!tpu.dma_semaphore, #tpu.memory_space<semaphore_mem>>) src(%dma_wait3A_323 : memref<128xi32, #tpu.memory_space<hbm>>) dst(%arg5 : memref<128xi32, #tpu.memory_space<vmem>>)
      } else {
      }
      %mul3A_166 = arith.constant 2 : i32
      %mul3A_167 = arith.muli %scan3A_29, %mul3A_166 : i32
      %add3A_168 = arith.constant 1 : i32
      %add3A_169 = arith.addi %mul3A_167, %add3A_168 : i32
      %mul3A_170 = arith.constant 50 : i32
      %mul3A_171 = arith.muli %add3A, %mul3A_170 : i32
      %add3A_172 = arith.addi %mul3A_171, %add3A_169 : i32
      %jit3A_173 = arith.constant 8 : i32
      %div3A_174 = arith.divsi %add3A_172, %jit3A_173 : i32
      %sign3A_175 = arith.constant 0 : i32
      %sign3A_176 = arith.cmpi sgt, %add3A_172, %sign3A_175 : i32
      %sign3A_177 = arith.extui %sign3A_176 : i1 to i32
      %sign3A_178 = arith.constant 0 : i32
      %sign3A_179 = arith.cmpi slt, %add3A_172, %sign3A_178 : i32
      %sign3A_180 = arith.extui %sign3A_179 : i1 to i32
      %sign3A_181 = arith.subi %sign3A_177, %sign3A_180 : i32
      %sign3A_182 = arith.constant 0 : i32
      %sign3A_183 = arith.cmpi sgt, %jit3A_173, %sign3A_182 : i32
      %sign3A_184 = arith.extui %sign3A_183 : i1 to i32
      %sign3A_185 = arith.constant 0 : i32
      %sign3A_186 = arith.cmpi slt, %jit3A_173, %sign3A_185 : i32
      %sign3A_187 = arith.extui %sign3A_186 : i1 to i32
      %sign3A_188 = arith.subi %sign3A_184, %sign3A_187 : i32
      %ne3A_189 = arith.cmpi ne, %sign3A_181, %sign3A_188 : i32
      %rem3A_190 = arith.remsi %add3A_172, %jit3A_173 : i32
      %ne3A_191 = arith.constant 0 : i32
      %ne3A_192 = arith.cmpi ne, %rem3A_190, %ne3A_191 : i32
      %and3A_193 = arith.andi %ne3A_189, %ne3A_192 : i1
      %sub3A_194 = arith.constant 1 : i32
      %sub3A_195 = arith.subi %div3A_174, %sub3A_194 : i32
      %select_n3A_196 = arith.select %and3A_193, %sub3A_195, %div3A_174 : i32
      %jit3A_197 = arith.constant 8 : i32
      %eq3A_198 = arith.constant 0 : i32
      %eq3A_199 = arith.cmpi eq, %jit3A_197, %eq3A_198 : i32
      %jit3A_200 = arith.constant 1 : i32
      %select_n3A_201 = arith.select %eq3A_199, %jit3A_200, %jit3A_197 : i32
      %rem3A_202 = arith.remsi %add3A_172, %select_n3A_201 : i32
      %ne3A_203 = arith.constant 0 : i32
      %ne3A_204 = arith.cmpi ne, %rem3A_202, %ne3A_203 : i32
      %lt3A_205 = arith.constant 0 : i32
      %lt3A_206 = arith.cmpi slt, %rem3A_202, %lt3A_205 : i32
      %lt3A_207 = arith.constant 0 : i32
      %lt3A_208 = arith.cmpi slt, %select_n3A_201, %lt3A_207 : i32
      %ne3A_209 = arith.xori %lt3A_206, %lt3A_208 : i1
      %and3A_210 = arith.andi %ne3A_209, %ne3A_204 : i1
      %add3A_211 = arith.addi %rem3A_202, %select_n3A_201 : i32
      %select_n3A_212 = arith.select %and3A_210, %add3A_211, %rem3A_202 : i32
      %add3A_213 = arith.constant 1 : i32
      %add3A_214 = arith.addi %add3A_169, %add3A_213 : i32
      %lt3A_215 = arith.constant 50 : i32
      %lt3A_216 = arith.cmpi slt, %add3A_214, %lt3A_215 : i32
      %convert_element_type3A_217 = arith.extui %lt3A_216 : i1 to i32
      %cond3A_218 = arith.constant 0 : i32
      %cond3A_219 = arith.cmpi ne, %convert_element_type3A_217, %cond3A_218 : i32
      scf.if %cond3A_219 {
        %add3A_315 = arith.constant 1 : i32
        %add3A_316 = arith.addi %add3A_169, %add3A_315 : i32
        %mul3A_317 = arith.constant 50 : i32
        %mul3A_318 = arith.muli %add3A, %mul3A_317 : i32
        %add3A_319 = arith.addi %mul3A_318, %add3A_316 : i32
        %mul3A_320 = arith.constant 128 : i32
        %mul3A_321 = arith.muli %add3A_319, %mul3A_320 : i32
        %dma_start3A_322 = tpu.memref_slice %arg2[%mul3A_321] : memref<204800xi32, #tpu.memory_space<hbm>> -> memref<128xi32, #tpu.memory_space<hbm>>
        %dma_start3A_323 = tpu.memref_slice %arg2[%mul3A_321] : memref<204800xi32, #tpu.memory_space<hbm>> -> memref<128xi32, #tpu.memory_space<hbm>>
        tpu.enqueue_dma source(%dma_start3A_323 : memref<128xi32, #tpu.memory_space<hbm>>) target(%arg4 : memref<128xi32, #tpu.memory_space<vmem>>) target_semaphore(%arg8 : memref<!tpu.dma_semaphore, #tpu.memory_space<semaphore_mem>>)
      } else {
      }
      %add3A_220 = arith.constant 0 : i32
      %add3A_221 = vector.broadcast %add3A_220 : i32 to vector<16xi32>
      %add3A_222 = arith.addi %iota3A, %add3A_221 : vector<16xi32>
      %get3A_223 = arith.constant 0 : index
      %get3A_224 = tpu.vector_load %arg5[%get3A_223] {strides = array<i32>} : memref<128xi32, #tpu.memory_space<vmem>>, vector<16xi32>,
      tpu.vector_store_idx %arg6[%get3A_224, %add3A_222], %broadcast_in_dim3A_3 : memref<1000x128xf32, #tpu.memory_space<vmem>>[vector<16xi32>, vector<16xi32>], vector<16xf32>,
      %add3A_225 = arith.constant 16 : i32
      %add3A_226 = vector.broadcast %add3A_225 : i32 to vector<16xi32>
      %add3A_227 = arith.addi %iota3A, %add3A_226 : vector<16xi32>
      %get3A_228 = arith.constant 16 : index
      %get3A_229 = tpu.vector_load %arg5[%get3A_228] {strides = array<i32>} : memref<128xi32, #tpu.memory_space<vmem>>, vector<16xi32>,
      tpu.vector_store_idx %arg6[%get3A_229, %add3A_227], %broadcast_in_dim3A_3 : memref<1000x128xf32, #tpu.memory_space<vmem>>[vector<16xi32>, vector<16xi32>], vector<16xf32>,
      %add3A_230 = arith.constant 32 : i32
      %add3A_231 = vector.broadcast %add3A_230 : i32 to vector<16xi32>
      %add3A_232 = arith.addi %iota3A, %add3A_231 : vector<16xi32>
      %get3A_233 = arith.constant 32 : index
      %get3A_234 = tpu.vector_load %arg5[%get3A_233] {strides = array<i32>} : memref<128xi32, #tpu.memory_space<vmem>>, vector<16xi32>,
      tpu.vector_store_idx %arg6[%get3A_234, %add3A_232], %broadcast_in_dim3A_3 : memref<1000x128xf32, #tpu.memory_space<vmem>>[vector<16xi32>, vector<16xi32>], vector<16xf32>,
      %add3A_235 = arith.constant 48 : i32
      %add3A_236 = vector.broadcast %add3A_235 : i32 to vector<16xi32>
      %add3A_237 = arith.addi %iota3A, %add3A_236 : vector<16xi32>
      %get3A_238 = arith.constant 48 : index
      %get3A_239 = tpu.vector_load %arg5[%get3A_238] {strides = array<i32>} : memref<128xi32, #tpu.memory_space<vmem>>, vector<16xi32>,
      tpu.vector_store_idx %arg6[%get3A_239, %add3A_237], %broadcast_in_dim3A_3 : memref<1000x128xf32, #tpu.memory_space<vmem>>[vector<16xi32>, vector<16xi32>], vector<16xf32>,
      %add3A_240 = arith.constant 64 : i32
      %add3A_241 = vector.broadcast %add3A_240 : i32 to vector<16xi32>
      %add3A_242 = arith.addi %iota3A, %add3A_241 : vector<16xi32>
      %get3A_243 = arith.constant 64 : index
      %get3A_244 = tpu.vector_load %arg5[%get3A_243] {strides = array<i32>} : memref<128xi32, #tpu.memory_space<vmem>>, vector<16xi32>,
      tpu.vector_store_idx %arg6[%get3A_244, %add3A_242], %broadcast_in_dim3A_3 : memref<1000x128xf32, #tpu.memory_space<vmem>>[vector<16xi32>, vector<16xi32>], vector<16xf32>,
      %add3A_245 = arith.constant 80 : i32
      %add3A_246 = vector.broadcast %add3A_245 : i32 to vector<16xi32>
      %add3A_247 = arith.addi %iota3A, %add3A_246 : vector<16xi32>
      %get3A_248 = arith.constant 80 : index
      %get3A_249 = tpu.vector_load %arg5[%get3A_248] {strides = array<i32>} : memref<128xi32, #tpu.memory_space<vmem>>, vector<16xi32>,
      tpu.vector_store_idx %arg6[%get3A_249, %add3A_247], %broadcast_in_dim3A_3 : memref<1000x128xf32, #tpu.memory_space<vmem>>[vector<16xi32>, vector<16xi32>], vector<16xf32>,
      %add3A_250 = arith.constant 96 : i32
      %add3A_251 = vector.broadcast %add3A_250 : i32 to vector<16xi32>
      %add3A_252 = arith.addi %iota3A, %add3A_251 : vector<16xi32>
      %get3A_253 = arith.constant 96 : index
      %get3A_254 = tpu.vector_load %arg5[%get3A_253] {strides = array<i32>} : memref<128xi32, #tpu.memory_space<vmem>>, vector<16xi32>,
      tpu.vector_store_idx %arg6[%get3A_254, %add3A_252], %broadcast_in_dim3A_3 : memref<1000x128xf32, #tpu.memory_space<vmem>>[vector<16xi32>, vector<16xi32>], vector<16xf32>,
      %add3A_255 = arith.constant 112 : i32
      %add3A_256 = vector.broadcast %add3A_255 : i32 to vector<16xi32>
      %add3A_257 = arith.addi %iota3A, %add3A_256 : vector<16xi32>
      %get3A_258 = arith.constant 112 : index
      %get3A_259 = tpu.vector_load %arg5[%get3A_258] {strides = array<i32>} : memref<128xi32, #tpu.memory_space<vmem>>, vector<16xi32>,
      tpu.vector_store_idx %arg6[%get3A_259, %add3A_257], %broadcast_in_dim3A_3 : memref<1000x128xf32, #tpu.memory_space<vmem>>[vector<16xi32>, vector<16xi32>], vector<16xf32>,
      %mul3A_260 = arith.constant 1000 : i32
      %mul3A_261 = arith.muli %select_n3A_196, %mul3A_260 : i32
      %mul3A_262 = arith.constant 128 : i32
      %mul3A_263 = arith.muli %select_n3A_212, %mul3A_262 : i32
      %dma_start3A_264 = tpu.memref_slice %arg3[%mul3A_261, %mul3A_263] : memref<200000x1024xf32, #tpu.memory_space<hbm>> -> memref<1000x128xf32, #tpu.memory_space<hbm>>
      %dma_start3A_265 = tpu.memref_slice %arg3[%mul3A_261, %mul3A_263] : memref<200000x1024xf32, #tpu.memory_space<hbm>> -> memref<1000x128xf32, #tpu.memory_space<hbm>>
      tpu.enqueue_dma source(%arg6 : memref<1000x128xf32, #tpu.memory_space<vmem>>) target(%dma_start3A_265 : memref<1000x128xf32, #tpu.memory_space<hbm>>) target_semaphore(%arg7 : memref<!tpu.dma_semaphore, #tpu.memory_space<semaphore_mem>>)
      %dma_wait3A_266 = tpu.memref_slice %arg3[%mul3A_261, %mul3A_263] : memref<200000x1024xf32, #tpu.memory_space<hbm>> -> memref<1000x128xf32, #tpu.memory_space<hbm>>
      %dma_wait3A_267 = tpu.memref_slice %arg3[%mul3A_261, %mul3A_263] : memref<200000x1024xf32, #tpu.memory_space<hbm>> -> memref<1000x128xf32, #tpu.memory_space<hbm>>
      tpu.wait_dma2 semaphore(%arg7 : memref<!tpu.dma_semaphore, #tpu.memory_space<semaphore_mem>>) src(%arg6 : memref<1000x128xf32, #tpu.memory_space<vmem>>) dst(%dma_wait3A_267 : memref<1000x128xf32, #tpu.memory_space<hbm>>)
      %add3A_268 = arith.constant 0 : i32
      %add3A_269 = vector.broadcast %add3A_268 : i32 to vector<16xi32>
      %add3A_270 = arith.addi %iota3A, %add3A_269 : vector<16xi32>
      %get3A_271 = arith.constant 0 : index
      %get3A_272 = tpu.vector_load %arg5[%get3A_271] {strides = array<i32>} : memref<128xi32, #tpu.memory_space<vmem>>, vector<16xi32>,
      tpu.vector_store_idx %arg6[%get3A_272, %add3A_270], %broadcast_in_dim3A_1 : memref<1000x128xf32, #tpu.memory_space<vmem>>[vector<16xi32>, vector<16xi32>], vector<16xf32>,
      %add3A_273 = arith.constant 16 : i32
      %add3A_274 = vector.broadcast %add3A_273 : i32 to vector<16xi32>
      %add3A_275 = arith.addi %iota3A, %add3A_274 : vector<16xi32>
      %get3A_276 = arith.constant 16 : index
      %get3A_277 = tpu.vector_load %arg5[%get3A_276] {strides = array<i32>} : memref<128xi32, #tpu.memory_space<vmem>>, vector<16xi32>,
      tpu.vector_store_idx %arg6[%get3A_277, %add3A_275], %broadcast_in_dim3A_1 : memref<1000x128xf32, #tpu.memory_space<vmem>>[vector<16xi32>, vector<16xi32>], vector<16xf32>,
      %add3A_278 = arith.constant 32 : i32
      %add3A_279 = vector.broadcast %add3A_278 : i32 to vector<16xi32>
      %add3A_280 = arith.addi %iota3A, %add3A_279 : vector<16xi32>
      %get3A_281 = arith.constant 32 : index
      %get3A_282 = tpu.vector_load %arg5[%get3A_281] {strides = array<i32>} : memref<128xi32, #tpu.memory_space<vmem>>, vector<16xi32>,
      tpu.vector_store_idx %arg6[%get3A_282, %add3A_280], %broadcast_in_dim3A_1 : memref<1000x128xf32, #tpu.memory_space<vmem>>[vector<16xi32>, vector<16xi32>], vector<16xf32>,
      %add3A_283 = arith.constant 48 : i32
      %add3A_284 = vector.broadcast %add3A_283 : i32 to vector<16xi32>
      %add3A_285 = arith.addi %iota3A, %add3A_284 : vector<16xi32>
      %get3A_286 = arith.constant 48 : index
      %get3A_287 = tpu.vector_load %arg5[%get3A_286] {strides = array<i32>} : memref<128xi32, #tpu.memory_space<vmem>>, vector<16xi32>,
      tpu.vector_store_idx %arg6[%get3A_287, %add3A_285], %broadcast_in_dim3A_1 : memref<1000x128xf32, #tpu.memory_space<vmem>>[vector<16xi32>, vector<16xi32>], vector<16xf32>,
      %add3A_288 = arith.constant 64 : i32
      %add3A_289 = vector.broadcast %add3A_288 : i32 to vector<16xi32>
      %add3A_290 = arith.addi %iota3A, %add3A_289 : vector<16xi32>
      %get3A_291 = arith.constant 64 : index
      %get3A_292 = tpu.vector_load %arg5[%get3A_291] {strides = array<i32>} : memref<128xi32, #tpu.memory_space<vmem>>, vector<16xi32>,
      tpu.vector_store_idx %arg6[%get3A_292, %add3A_290], %broadcast_in_dim3A_1 : memref<1000x128xf32, #tpu.memory_space<vmem>>[vector<16xi32>, vector<16xi32>], vector<16xf32>,
      %add3A_293 = arith.constant 80 : i32
      %add3A_294 = vector.broadcast %add3A_293 : i32 to vector<16xi32>
      %add3A_295 = arith.addi %iota3A, %add3A_294 : vector<16xi32>
      %get3A_296 = arith.constant 80 : index
      %get3A_297 = tpu.vector_load %arg5[%get3A_296] {strides = array<i32>} : memref<128xi32, #tpu.memory_space<vmem>>, vector<16xi32>,
      tpu.vector_store_idx %arg6[%get3A_297, %add3A_295], %broadcast_in_dim3A_1 : memref<1000x128xf32, #tpu.memory_space<vmem>>[vector<16xi32>, vector<16xi32>], vector<16xf32>,
      %add3A_298 = arith.constant 96 : i32
      %add3A_299 = vector.broadcast %add3A_298 : i32 to vector<16xi32>
      %add3A_300 = arith.addi %iota3A, %add3A_299 : vector<16xi32>
      %get3A_301 = arith.constant 96 : index
      %get3A_302 = tpu.vector_load %arg5[%get3A_301] {strides = array<i32>} : memref<128xi32, #tpu.memory_space<vmem>>, vector<16xi32>,
      tpu.vector_store_idx %arg6[%get3A_302, %add3A_300], %broadcast_in_dim3A_1 : memref<1000x128xf32, #tpu.memory_space<vmem>>[vector<16xi32>, vector<16xi32>], vector<16xf32>,
      %add3A_303 = arith.constant 112 : i32
      %add3A_304 = vector.broadcast %add3A_303 : i32 to vector<16xi32>
      %add3A_305 = arith.addi %iota3A, %add3A_304 : vector<16xi32>
      %get3A_306 = arith.constant 112 : index
      %get3A_307 = tpu.vector_load %arg5[%get3A_306] {strides = array<i32>} : memref<128xi32, #tpu.memory_space<vmem>>, vector<16xi32>,
      tpu.vector_store_idx %arg6[%get3A_307, %add3A_305], %broadcast_in_dim3A_1 : memref<1000x128xf32, #tpu.memory_space<vmem>>[vector<16xi32>, vector<16xi32>], vector<16xf32>,
      %add3A_308 = arith.constant 1 : i32
      %add3A_309 = arith.addi %add3A_169, %add3A_308 : i32
      %lt3A_310 = arith.constant 50 : i32
      %lt3A_311 = arith.cmpi slt, %add3A_309, %lt3A_310 : i32
      %convert_element_type3A_312 = arith.extui %lt3A_311 : i1 to i32
      %cond3A_313 = arith.constant 0 : i32
      %cond3A_314 = arith.cmpi ne, %convert_element_type3A_312, %cond3A_313 : i32
      scf.if %cond3A_314 {
        %add3A_315 = arith.constant 1 : i32
        %add3A_316 = arith.addi %add3A_169, %add3A_315 : i32
        %mul3A_317 = arith.constant 50 : i32
        %mul3A_318 = arith.muli %add3A, %mul3A_317 : i32
        %add3A_319 = arith.addi %mul3A_318, %add3A_316 : i32
        %mul3A_320 = arith.constant 128 : i32
        %mul3A_321 = arith.muli %add3A_319, %mul3A_320 : i32
        %dma_wait3A_322 = tpu.memref_slice %arg2[%mul3A_321] : memref<204800xi32, #tpu.memory_space<hbm>> -> memref<128xi32, #tpu.memory_space<hbm>>
        %dma_wait3A_323 = tpu.memref_slice %arg2[%mul3A_321] : memref<204800xi32, #tpu.memory_space<hbm>> -> memref<128xi32, #tpu.memory_space<hbm>>
        tpu.wait_dma2 semaphore(%arg8 : memref<!tpu.dma_semaphore, #tpu.memory_space<semaphore_mem>>) src(%dma_wait3A_323 : memref<128xi32, #tpu.memory_space<hbm>>) dst(%arg4 : memref<128xi32, #tpu.memory_space<vmem>>)
      } else {
      }
    }
    %scan3A_28 = arith.constant 25 : i32
    return
  }
}

</mosaic_0001>

<sc_bundles>
// kernel: kernel.3.cloned.1.call-start
scs
__scs_entry_jumppad:
0x0: {  	(pc) =	sbr.rel $0x88, $3  }
0x1: {  	(tag) =	ssettag $0x0;
	lr =	simm.s32 $0x1  }
0x2: {  	[smem:$0x3FA0] =	sst lr;
	_ =	strace $0xD0000000  }
0x3: {  	_ = 	snop  }
0x4: {  	_ = 	snop  }
0x5: {  	_ = 	snop  }
0x6: {  	_ = 	snop  }
0x7: {  	_ = 	snop  }
__scs_overlays_trampoline_lowered:
0x8: {  	[smem:$0x3FAF] =	sst s0  }
0x9: {  	[smem:$0x3FB0] =	sst s1  }
0xa: {  	[smem:$0x3FB1] =	sst s2  }
0xb: {  	[smem:$0x3FB2] =	sst s3  }
0xc: {  	[smem:$0x3FB3] =	sst s4  }
0xd: {  	[smem:$0x3FB4] =	sst s5  }
0xe: {  	[smem:$0x3FB5] =	sst s6  }
0xf: {  	[smem:$0x3FB6] =	sst s7  }
0x10: {  	[smem:$0x3FB7] =	sst s8  }
0x11: {  	[smem:$0x3FB8] =	sst s9;
	s0 =	simm.s32 @!p0 $0x0  }
0x12: {  	s1 =	sld [smem:$0x3F9E];
	s0 =	simm.s32 @p0 $0x1  }
0x13: {  	[smem:$0x3FB9] =	sst s0;
	s0 =	simm.s32 @!p1 $0x0  }
0x14: {  	s2 =	sld [smem:$0x3F9D];
	s0 =	simm.s32 @p1 $0x1  }
0x15: {  	[smem:$0x3FBA] =	sst s0;
	s0 =	simm.s32 @!p2 $0x0  }
0x16: {  	s3 =	sld [smem:$0x3FDB];
	s0 =	simm.s32 @p2 $0x1  }
0x17: {  	s4 =	simm.s32 $0x1BF5;
	[smem:$0x3FBC] =	sst s0  }
0x18: {  	s0 =	sld [smem:$0x3F9F];
	_ =	swait.ge [sflag:s4], $0x0  }
0x19: {  	s7 =	sld [smem:$0x3FA0]  }
0x1a: {  	s8 =	sadd.s32 $0xFFFFE003, lr  }
0x1b: {  	s9 =	sadd.s32 $0xFFFFFEF7, lr;
	s5 =	simm.s32 $0xFFFFFFFF;
	p2 =	slt.u32 s8, $0xFFFFF086  }
0x1c: {  	p1 =	slt.u32 s9, $0xF7A;
	s5 =	simm.s32 @!p2 $0x0  }
0x1d: {  	s5 =	simm.s32 @p1 $0x1;
	p0 =	seq.s32 s7, s2  }
0x1e: {  	s7 =	smul.u32 @!p0 $0xF7A, s2;
	p2 =	seq.s32 @!p0 s5, $0x0  }
0x1f: {  	s9 =	smul.u32 $0xF7A, s1;
	s8 =	simm.s32 @!p0 $0x1BF5;
	p2 =	por !p2, p0  }
0x20: {  	[sflag:s8] =	ssyncset.s32 @!p0 $0xFFFFF086;
	s6 =	sadd.s32 @!p0 s3, s7;
	s7 =	simm.s32 @!p0 $0x108  }
0x21: {  	s3 =	sadd.s32 s3, s9;
	s6 =	sadd.s32 @!p0 $0x88, s6;
	s7 =	simm.s32 @p2 $0x1082  }
0x22: {  	[simem:s7], [sflag:s8] =	dma.local @!p0 [hbm:s6], $0xF7A  }
0x23: {  	s9 =	sor.u32 $0xD0000000, s2;
	s6 =	simm.s32 $0x108;
	_ =	swait.ge @!p0 [sflag:s8], $0x0  }
0x24: {  	s3 =	sadd.s32 $0x88, s3;
	s6 =	simm.s32 @!p1 $0x1082;
	[sflag:s4] =	ssyncset.s32 $0xFFFFF086  }
0x25: {  	[simem:s6], [sflag:s4] =	dma.local [hbm:s3], $0xF7A  }
0x26: {  	[smem:$0x3FA0] =	sst s1;
	(tag) =	ssettag s2;
	_ =	strace s9  }
0x27: {  	s1 =	sld [smem:$0x3FB0]  }
0x28: {  	s2 =	sld [smem:$0x3FB1]  }
0x29: {  	s4 =	sld [smem:$0x3FB3]  }
0x2a: {  	p0 =	seq.s32 s5, $0x0;
	s5 =	sld [smem:$0x3FB4]  }
0x2b: {  	s6 =	sld [smem:$0x3FB5]  }
0x2c: {  	s7 =	sld [smem:$0x3FB6]  }
0x2d: {  	s3 =	simm.s32 $0x108;
	s8 =	sld [smem:$0x3FB7]  }
0x2e: {  	s3 =	simm.s32 @!p0 $0x1082;
	s9 =	sld [smem:$0x3FB8]  }
0x2f: {  	lr =	sadd.s32 s0, s3;
	s0 =	sld [smem:$0x3FAF]  }
0x30: {  	s3 =	sld [smem:$0x3FB2]  }
0x31: {  	[smem:$0x3FBB] =	sst s10  }
0x32: {  	s10 =	sld [smem:$0x3FB9];
	_ =	sdelay $0x3  }
0x33: {  	p0 =	seq.s32 s10, $0x1;
	s10 =	sld [smem:$0x3FBB];
	_ =	sdelay $0x3  }
0x34: {  	[smem:$0x3FBB] =	sst s10  }
0x35: {  	s10 =	sld [smem:$0x3FBA];
	_ =	sdelay $0x3  }
0x36: {  	p1 =	seq.s32 s10, $0x1;
	s10 =	sld [smem:$0x3FBB];
	_ =	sdelay $0x3  }
0x37: {  	[smem:$0x3FBB] =	sst s10  }
0x38: {  	s10 =	sld [smem:$0x3FBC]  }
0x39: {  	_ = 	snop;
	(pc) =	sbr.ind lr, $3  }
0x3a: {  	_ = 	snop  }
0x3b: {  	_ = 	snop  }
0x3c: {  	p2 =	seq.s32 s10, $0x1;
	s10 =	sld [smem:$0x3FBB]  }
0x3d: {  	_ =	shalt  }
0x3e: {  	_ =	shalt  }
0x3f: {  	_ =	shalt  }
0x40: {  	_ =	shalt  }
0x41: {  	_ =	shalt  }
0x42: {  	_ =	shalt  }
0x43: {  	_ =	shalt  }
0x44: {  	_ =	shalt  }
0x45: {  	_ =	shalt  }
0x46: {  	_ =	shalt  }
0x47: {  	_ =	shalt  }
0x48: {  	_ =	shalt  }
0x49: {  	_ =	shalt  }
0x4a: {  	_ =	shalt  }
0x4b: {  	_ =	shalt  }
0x4c: {  	_ =	shalt  }
0x4d: {  	_ =	shalt  }
0x4e: {  	_ =	shalt  }
0x4f: {  	_ =	shalt  }
0x50: {  	_ =	shalt  }
0x51: {  	_ =	shalt  }
0x52: {  	_ =	shalt  }
0x53: {  	_ =	shalt  }
0x54: {  	_ =	shalt  }
0x55: {  	_ =	shalt  }
0x56: {  	_ =	shalt  }
0x57: {  	_ =	shalt  }
0x58: {  	_ =	shalt  }
0x59: {  	_ =	shalt  }
0x5a: {  	_ =	shalt  }
0x5b: {  	_ =	shalt  }
0x5c: {  	_ =	shalt  }
0x5d: {  	_ =	shalt  }
0x5e: {  	_ =	shalt  }
0x5f: {  	_ =	shalt  }
0x60: {  	_ =	shalt  }
0x61: {  	_ =	shalt  }
0x62: {  	_ =	shalt  }
0x63: {  	_ =	shalt  }
0x64: {  	_ =	shalt  }
0x65: {  	_ =	shalt  }
0x66: {  	_ =	shalt  }
0x67: {  	_ =	shalt  }
0x68: {  	_ =	shalt  }
0x69: {  	_ =	shalt  }
0x6a: {  	_ =	shalt  }
0x6b: {  	_ =	shalt  }
0x6c: {  	_ =	shalt  }
0x6d: {  	_ =	shalt  }
0x6e: {  	_ =	shalt  }
0x6f: {  	_ =	shalt  }
0x70: {  	_ =	shalt  }
0x71: {  	_ =	shalt  }
0x72: {  	_ =	shalt  }
0x73: {  	_ =	shalt  }
0x74: {  	_ =	shalt  }
0x75: {  	_ =	shalt  }
0x76: {  	_ =	shalt  }
0x77: {  	_ =	shalt  }
0x78: {  	_ =	shalt  }
0x79: {  	_ =	shalt  }
0x7a: {  	_ =	shalt  }
0x7b: {  	_ =	shalt  }
0x7c: {  	_ =	shalt  }
0x7d: {  	_ =	shalt  }
0x7e: {  	_ =	shalt  }
0x7f: {  	_ =	shalt  }
0x80: {  	_ =	shalt  }
0x81: {  	_ =	shalt  }
0x82: {  	_ =	shalt  }
0x83: {  	_ =	shalt  }
0x84: {  	_ =	shalt  }
0x85: {  	_ =	shalt  }
0x86: {  	_ =	shalt  }
0x87: {  	_ =	shalt  }
.Lfunc_end0:
.L_simem_size_0:
called_computation_lowered:
.L_overlay_start_0:
0x88: {  	s2 =	sld [smem:$0x3FD9]  }
0x89: {  	s3 =	sld [smem:$0x3FFE];
	_ =	sdelay $0x1  }
0x8a: {  	s1 =	srdreg.scid  }
0x8b: {  	s0 =	sand.u32 $0x1, s1  }
0x8c: {  	s17 =	sshll.u32 s0, $0xA;
	s2 =	sadd.s32 s3, s2  }
0x8d: {  	s2 =	sadd.s32 s2, s17  }
0x8e: {  	[smem:$0x3FC7] =	sst s2  }
0x8f: {  	_ = 	snop  }
0x90: {  	s2 =	sld [smem:$0x3FD0];
	(tm) =	ssettm $0x1  }
0x91: {  	s18 =	sld [smem:$0x3FFB];
	_ =	sdelay $0x3  }
0x92: {  	_ =	strace s18  }
0x93: {  	s3 =	sld [smem:$0x3FFC];
	_ =	sdelay $0x3  }
0x94: {  	_ =	strace s3  }
0x95: {  	s3 =	sld [smem:$0x3FFD];
	_ =	sdelay $0x3  }
0x96: {  	_ =	strace s3  }
0x97: {  	_ =	strace $0x8FFFFFFF  }
0x98: {  	s19 =	sld [smem:$0x3FDB];
	_ =	sdelay $0x1  }
0x99: {  	s4 =	simm.s32 $_scs_section_size  }
0x9a: {  	s5 =	simm.s32 $_size__tile_overlayer_lowered;
	s6 =	simm.s32 $_tile_overlayer_lowered  }
0x9b: {  	s22 =	simm.s32 $0x1BFF;
	s21 =	sshll.u32 s6, $0x1;
	s3 =	sadd.s32 s4, s19  }
0x9c: {  	s7 =	simm.s32 $0x0;
	s20 =	sshll.u32 s5, $0x1;
	s5 =	sadd.s32 s21, s3  }
0x9d: {  	[timem:s7], [sflag:s22] =	dma.local [hbm:s5], s20  }
0x9e: {  	_ =	swait.ge [sflag:s22], s20  }
0x9f: {  	s4 =	ssub.s32 $0x0, s20;
	[sflag:s22] =	ssyncset.done $0x0  }
0xa0: {  	[sflag:s22] =	ssyncadd.s32 s4;
	_ =	sdelay $0x1  }
0xa1: {  	s23 =	simm.s32 $0x1B8B  }
0xa2: {  	_ =	swait.ge [sflag:s23], $0x1  }
0xa3: {  	[sflag:s23] =	ssyncset.done $0x0  }
0xa4: {  	s25 =	simm.s32 $0x1B8E;
	s24 =	sld [smem:$0x3FFE];
	[sflag:s23] =	ssyncadd.s32 $0xFFFFFFFF  }
0xa5: {  	s26 =	simm.s32 $execute0_lowered;
	[smem:$0x3FD2] =	sst s25  }
0xa6: {  	s5 =	sshll.u32 s26, $0x1;
	_ =	strace $0x80000046;
	[dreg:$0x1] =	wrdreg $0xFFFFFFFF  }
0xa7: {  	s28 =	simm.s32 $_size_execute0_lowered;
	s3 =	sadd.s32 s3, s5;
	[dreg:$0x0] =	wrdreg $0x0  }
0xa8: {  	s5 =	sshll.u32 s28, $0x1;
	[dreg:$0x2] =	wrdreg s3  }
0xa9: {  	[dreg:$0x3] =	wrdreg s5  }
0xaa: {  	[dreg:$0x4] =	wrdreg $0xC0  }
0xab: {  	_ =	task [dreg:s7], $0x5FFFF  }
0xac: {  	[dreg:$0x1] =	wrdreg $0xFFFFFFFF  }
0xad: {  	[dreg:$0x0] =	wrdreg $0x60  }
0xae: {  	[dreg:$0x2] =	wrdreg s24  }
0xaf: {  	[dreg:$0x3] =	wrdreg s2  }
0xb0: {  	[dreg:$0x4] =	wrdreg $0x9  }
0xb1: {  	_ =	task.clear_ibuf [dreg:s7], $0x5FFFF;
	_ =	strace $0x90000046  }
0xb2: {  	s29 =	simm.s32 $0x9;
	_ =	strace $0x80000048  }
0xb3: {  	_ =	swait.ge [sflag:s29], $0x1  }
0xb4: {  	[sflag:s29] =	ssyncadd.s32 $0xFFFFFFFF  }
0xb5: {  	_ =	strace $0x90000048  }
0xb6: {  	_ =	sfence  }
0xb7: {  	s30 =	sld [smem:$0x0];
	_ =	sdelay $0x2  }
0xb8: {  	s31 =	sshll.u32 s1, $0xD;
	s1 =	sshrl.u32 s1, $0x2  }
0xb9: {  	s3 =	sand.u32 $0x4000, s31;
	s1 =	sadd.s32 s1, s30  }
0xba: {  	s0 =	sor.u32 s3, s0;
	s1 =	sshll.u32 s1, $0x11  }
0xbb: {  	s0 =	sor.u32 s1, s0  }
0xbc: {  	s0 =	sadd.s32 $0x8F2B, s0  }
0xbd: {  	[sflag:s0] =	ssyncadd.remote.s32 $0x1  }
0xbe: {  	_ =	sfence.sel $0xFFFF  }
0xbf: {  	[dreg:$0x0] =	wrdreg $0xFFFFFFFF;
	(pc) =	sbr.abs _section_cstart, $3  }
0xc0: {  	[dreg:$0x1] =	wrdreg $0xFFFFFFFF  }
0xc1: {  	_ =	task.clear_ibuf [dreg:s7], $0x2FFFF;
	_ =	strace $0x9FFFFFFF  }
0xc2: {  	(tm) =	ssettm $0x7FFFFFFF  }
0xc3: {  	_ =	shalt  }
tec
execute0_lowered:
.L_overlay_start_1:
0x0: {  	(tag) =	ssettag $0x1  }
0x1: {  	s4 =	rddreg [dreg:$0x0]  }
0x2: {  	s2 =	rddreg [dreg:$0x1]  }
0x3: {  	s0 =	rddreg [dreg:$0x2];
	s3 =	simm.s32 $0x0  }
0x4: {  	s5 =	srdreg.scid;
	s1 =	stileid.u32;
	s13 =	simm.s32 $0x400  }
0x5: {  	s14 =	simm.s32 $0x2000;
	s15 =	simm.s32 $0x1;
	s7 =	smul.u32 $0x64, s1  }
0x6: {  	s16 =	simm.s32 $0x0;
	s5 =	sand.u32 $0x1, s5;
	s30 =	smul.u32 $0x19000, s1  }
0x7: {  	s6 =	sshll.u32 s1, $0x1;
	[smem:$0x7FF] =	sst s3;
	s8 =	smul.u32 $0x32, s5  }
0x8: {  	s9 =	sadd.s32 $0x400, s4;
	s6 =	sor.u32 s5, s6;
	s12 =	smul.u32 $0xC800, s5  }
0x9: {  	_ =	strace $0x80000047;
	s29 =	ssub.s32 $0x2, s5;
	s28 =	smul.u32 $0x320, s6  }
.Ltmp0:
0xa: {  	s10 =	sshrl.u32 s29, $0x1;
	s8 =	sadd.s32 s8, s7;
	(pc) =	sbr.rel .LBB2_1-.Ltmp0, $4  }
0xb: {  	v0 =	vlaneseq.u32;
	s31 =	ssub.s32 s29, s10;
	s7 =	sadd.s32 s12, s30;
	s10 =	simm.s32 $0x2  }
0xc: {  	v1 =	vimm.f32 $0.0e+00;
	v2 =	vimm.f32 $1.000000000e+00;
	v3 =	vor.u32 $0x10, v0;
	s12 =	simm.s32 $0x100;
	s11 =	sshll.u32 s8, $0x4;
	s4 =	sadd.s32 s9, s28  }
0xd: {  	v4 =	vor.u32 $0x20, v0;
	v5 =	vor.u32 $0x30, v0;
	v6 =	vor.u32 $0x40, v0;
	s5 =	smax.u32 s31, $0x1;
	s8 =	sor.u32 $0x1, s8;
	s9 =	sadd.s32 s11, s9  }
0xe: {  	v7 =	vor.u32 $0x50, v0;
	v8 =	vor.u32 $0x60, v0;
	v9 =	vor.u32 $0x70, v0;
	s11 =	simm.s32 $0x80;
	s6 =	sadd.s32 $0x20, s9;
	s9 =	sadd.s32 $0x10, s9  }
.LBB2_6:
0xf: {  	s16 =	sadd.s32 $0x1, s16  }
0x10: {  	p0 =	sne.s32 s16, s5  }
.Ltmp1:
0x11: {  	_ = 	snop;
	(pc) =	sbr.rel @!p0 .LBB2_7-.Ltmp1, $1  }
0x12: {  	_ =	sdelay $0x3  }
.LBB2_1:
0x13: {  	s17 =	simm.s32 $0x0;
	s18 =	simm.s32 $0x200  }
.LBB2_2:
0x14: {  	p0 =	sne.s32 s18, $0x7CE00;
	[tilespmem:s17+$0x170] =	vst v1  }
0x15: {  	[tilespmem:s17+$0x100] =	vst v1  }
0x16: {  	[tilespmem:s17+$0x110] =	vst v1  }
.Ltmp2:
0x17: {  	[tilespmem:s17+$0x120] =	vst v1;
	(pc) =	sbr.rel @p0 .LBB2_2-.Ltmp2, $4  }
0x18: {  	[tilespmem:s17+$0x130] =	vst v1  }
0x19: {  	[tilespmem:s17+$0x140] =	vst v1  }
0x1a: {  	[tilespmem:s17+$0x150] =	vst v1  }
0x1b: {  	[tilespmem:s17+$0x160] =	vst v1;
	s17 =	sshra.s32 s18, $0x2;
	s18 =	sadd.s32 $0x200, s18  }
0x1c: {  	[tilespmem:s17+$0x170] =	vst v1  }
0x1d: {  	[tilespmem:s17+$0x100] =	vst v1  }
0x1e: {  	[tilespmem:s17+$0x110] =	vst v1  }
0x1f: {  	[tilespmem:s17+$0x120] =	vst v1  }
0x20: {  	[tilespmem:s17+$0x130] =	vst v1  }
0x21: {  	[tilespmem:s17+$0x140] =	vst v1  }
0x22: {  	[tilespmem:s17+$0x150] =	vst v1  }
0x23: {  	[tilespmem:s17+$0x160] =	vst v1;
	s17 =	simm.s32 $0x0  }
0x24: {  	[tilespmem:s17], [sflag:$0x2] =	stream.linear.gather [hbm4b:s4+s17], $0x80, $0x38;
	[tilespmem:$0x1F500] =	vst v63  }
0x25: {  	_ =	swait.ge [sflag:s10], $0x80  }
0x26: {  	[sflag:s10] =	ssyncset.done $0x0  }
0x27: {  	s18 =	smov.u32 s8;
	s19 =	smov.u32 s7;
	[sflag:s10] =	ssyncadd.s32 $0xFFFFFF80  }
.LBB2_4:
0x28: {  	s20 =	sadd.s32 s17, s9  }
0x29: {  	[tilespmem:s11], [sflag:$0x2] =	stream.linear.gather [hbm4b:s20+s3], $0x80, $0x38;
	[tilespmem:$0x1F500] =	vst v63  }
0x2a: {  	v10 =	vld [tilespmem:$0x0];
	_ =	sdelay $0x4  }
0x2b: {  	v10 =	vshll.u32 v10, $0x7  }
0x2c: {  	v10 =	vor.u32 v0, v10;
	_ =	sdelay $0x4  }
0x2d: {  	[tilespmem:v10+s12+$0x0] =	vst.idx.msk $0xffff, v2  }
0x2e: {  	v10 =	vld [tilespmem:$0x10];
	_ =	sdelay $0x4  }
0x2f: {  	v10 =	vshll.u32 v10, $0x7  }
0x30: {  	v10 =	vor.u32 v3, v10;
	_ =	sdelay $0x4  }
0x31: {  	[tilespmem:v10+s12+$0x0] =	vst.idx.msk $0xffff, v2  }
0x32: {  	v10 =	vld [tilespmem:$0x20];
	_ =	sdelay $0x4  }
0x33: {  	v10 =	vshll.u32 v10, $0x7  }
0x34: {  	v10 =	vor.u32 v4, v10;
	_ =	sdelay $0x4  }
0x35: {  	[tilespmem:v10+s12+$0x0] =	vst.idx.msk $0xffff, v2  }
0x36: {  	v10 =	vld [tilespmem:$0x30];
	_ =	sdelay $0x4  }
0x37: {  	v10 =	vshll.u32 v10, $0x7  }
0x38: {  	v10 =	vor.u32 v5, v10;
	_ =	sdelay $0x4  }
0x39: {  	[tilespmem:v10+s12+$0x0] =	vst.idx.msk $0xffff, v2  }
0x3a: {  	v10 =	vld [tilespmem:$0x40];
	_ =	sdelay $0x4  }
0x3b: {  	v10 =	vshll.u32 v10, $0x7  }
0x3c: {  	v10 =	vor.u32 v6, v10;
	_ =	sdelay $0x4  }
0x3d: {  	[tilespmem:v10+s12+$0x0] =	vst.idx.msk $0xffff, v2  }
0x3e: {  	v10 =	vld [tilespmem:$0x50];
	_ =	sdelay $0x4  }
0x3f: {  	v10 =	vshll.u32 v10, $0x7  }
0x40: {  	v10 =	vor.u32 v7, v10;
	_ =	sdelay $0x4  }
0x41: {  	[tilespmem:v10+s12+$0x0] =	vst.idx.msk $0xffff, v2  }
0x42: {  	v10 =	vld [tilespmem:$0x60];
	_ =	sdelay $0x4  }
0x43: {  	v10 =	vshll.u32 v10, $0x7  }
0x44: {  	v10 =	vor.u32 v8, v10;
	_ =	sdelay $0x4  }
0x45: {  	[tilespmem:v10+s12+$0x0] =	vst.idx.msk $0xffff, v2  }
0x46: {  	v10 =	vld [tilespmem:$0x70];
	_ =	sdelay $0x4  }
0x47: {  	s29 =	sadd.s32 $0xFFFFFFFF, s18;
	v10 =	vshll.u32 v10, $0x7  }
0x48: {  	s20 =	sshrl.u32 s29, $0x3;
	v10 =	vor.u32 v9, v10  }
0x49: {  	s20 =	smul.u32 $0xFA000, s20  }
0x4a: {  	s21 =	sand.u32 $0x1800, s19  }
0x4b: {  	s20 =	sor.u32 s21, s20  }
0x4c: {  	s20 =	sshrl.u32 s20, $0x3  }
0x4d: {  	s20 =	sadd.s32 s2, s20;
	[tilespmem:v10+s12+$0x0] =	vst.idx.msk $0xffff, v2  }
0x4e: {  	[hbm4b:s20+s13] =	stream.strided.scatter [tilespmem:s12], [sflag:$0x1], $0x1F400, s14, s13, $0x38;
	[tilespmem:$0x1F500] =	vst v63  }
0x4f: {  	_ =	swait.ge [sflag:s15], $0x1F400  }
0x50: {  	[sflag:s15] =	ssyncset.done $0x0  }
0x51: {  	[sflag:s15] =	ssyncadd.s32 $0xFFFE0C00  }
0x52: {  	v10 =	vld [tilespmem:$0x0];
	_ =	sdelay $0x4  }
0x53: {  	v10 =	vshll.u32 v10, $0x7  }
0x54: {  	v10 =	vor.u32 v0, v10;
	_ =	sdelay $0x4  }
0x55: {  	[tilespmem:v10+s12+$0x0] =	vst.idx.msk $0xffff, v1  }
0x56: {  	v10 =	vld [tilespmem:$0x10];
	_ =	sdelay $0x4  }
0x57: {  	v10 =	vshll.u32 v10, $0x7  }
0x58: {  	v10 =	vor.u32 v3, v10;
	_ =	sdelay $0x4  }
0x59: {  	[tilespmem:v10+s12+$0x0] =	vst.idx.msk $0xffff, v1  }
0x5a: {  	v10 =	vld [tilespmem:$0x20];
	_ =	sdelay $0x4  }
0x5b: {  	v10 =	vshll.u32 v10, $0x7  }
0x5c: {  	v10 =	vor.u32 v4, v10;
	_ =	sdelay $0x4  }
0x5d: {  	[tilespmem:v10+s12+$0x0] =	vst.idx.msk $0xffff, v1  }
0x5e: {  	v10 =	vld [tilespmem:$0x30];
	_ =	sdelay $0x4  }
0x5f: {  	v10 =	vshll.u32 v10, $0x7  }
0x60: {  	v10 =	vor.u32 v5, v10;
	_ =	sdelay $0x4  }
0x61: {  	[tilespmem:v10+s12+$0x0] =	vst.idx.msk $0xffff, v1  }
0x62: {  	v10 =	vld [tilespmem:$0x40];
	_ =	sdelay $0x4  }
0x63: {  	v10 =	vshll.u32 v10, $0x7  }
0x64: {  	v10 =	vor.u32 v6, v10;
	_ =	sdelay $0x4  }
0x65: {  	[tilespmem:v10+s12+$0x0] =	vst.idx.msk $0xffff, v1  }
0x66: {  	v10 =	vld [tilespmem:$0x50];
	_ =	sdelay $0x4  }
0x67: {  	v10 =	vshll.u32 v10, $0x7  }
0x68: {  	v10 =	vor.u32 v7, v10;
	_ =	sdelay $0x4  }
0x69: {  	[tilespmem:v10+s12+$0x0] =	vst.idx.msk $0xffff, v1  }
0x6a: {  	v10 =	vld [tilespmem:$0x60];
	_ =	sdelay $0x4  }
0x6b: {  	v10 =	vshll.u32 v10, $0x7  }
0x6c: {  	v10 =	vor.u32 v8, v10;
	_ =	sdelay $0x4  }
0x6d: {  	[tilespmem:v10+s12+$0x0] =	vst.idx.msk $0xffff, v1  }
0x6e: {  	v10 =	vld [tilespmem:$0x70];
	_ =	sdelay $0x4  }
0x6f: {  	v10 =	vshll.u32 v10, $0x7  }
0x70: {  	v10 =	vor.u32 v9, v10;
	_ =	sdelay $0x4  }
0x71: {  	[tilespmem:v10+s12+$0x0] =	vst.idx.msk $0xffff, v1  }
0x72: {  	_ =	swait.ge [sflag:s10], $0x80  }
0x73: {  	p0 =	seq.s32 s17, $0x300;
	[sflag:s10] =	ssyncset.done $0x0  }
0x74: {  	s21 =	simm.s32 @!p0 $0x0;
	s20 =	sadd.s32 @!p0 s17, s6;
	[sflag:s10] =	ssyncadd.s32 $0xFFFFFF80  }
0x75: {  	[tilespmem:s21], [sflag:$0x2] =	stream.linear.gather @!p0 [hbm4b:s20+s21], $0x80, $0x38;
	[tilespmem:$0x1F500] =	vst v63  }
0x76: {  	v10 =	vld [tilespmem:$0x80];
	_ =	sdelay $0x4  }
0x77: {  	v10 =	vshll.u32 v10, $0x7  }
0x78: {  	v10 =	vor.u32 v0, v10;
	_ =	sdelay $0x4  }
0x79: {  	[tilespmem:v10+s12+$0x0] =	vst.idx.msk $0xffff, v2  }
0x7a: {  	v10 =	vld [tilespmem:$0x90];
	_ =	sdelay $0x4  }
0x7b: {  	v10 =	vshll.u32 v10, $0x7  }
0x7c: {  	v10 =	vor.u32 v3, v10;
	_ =	sdelay $0x4  }
0x7d: {  	[tilespmem:v10+s12+$0x0] =	vst.idx.msk $0xffff, v2  }
0x7e: {  	v10 =	vld [tilespmem:$0xA0];
	_ =	sdelay $0x4  }
0x7f: {  	v10 =	vshll.u32 v10, $0x7  }
0x80: {  	v10 =	vor.u32 v4, v10;
	_ =	sdelay $0x4  }
0x81: {  	[tilespmem:v10+s12+$0x0] =	vst.idx.msk $0xffff, v2  }
0x82: {  	v10 =	vld [tilespmem:$0xB0];
	_ =	sdelay $0x4  }
0x83: {  	v10 =	vshll.u32 v10, $0x7  }
0x84: {  	v10 =	vor.u32 v5, v10;
	_ =	sdelay $0x4  }
0x85: {  	[tilespmem:v10+s12+$0x0] =	vst.idx.msk $0xffff, v2  }
0x86: {  	v10 =	vld [tilespmem:$0xC0];
	_ =	sdelay $0x4  }
0x87: {  	v10 =	vshll.u32 v10, $0x7  }
0x88: {  	v10 =	vor.u32 v6, v10;
	_ =	sdelay $0x4  }
0x89: {  	[tilespmem:v10+s12+$0x0] =	vst.idx.msk $0xffff, v2  }
0x8a: {  	v10 =	vld [tilespmem:$0xD0];
	_ =	sdelay $0x4  }
0x8b: {  	v10 =	vshll.u32 v10, $0x7  }
0x8c: {  	v10 =	vor.u32 v7, v10;
	_ =	sdelay $0x4  }
0x8d: {  	[tilespmem:v10+s12+$0x0] =	vst.idx.msk $0xffff, v2  }
0x8e: {  	v10 =	vld [tilespmem:$0xE0];
	_ =	sdelay $0x4  }
0x8f: {  	v10 =	vshll.u32 v10, $0x7  }
0x90: {  	v10 =	vor.u32 v8, v10;
	_ =	sdelay $0x4  }
0x91: {  	[tilespmem:v10+s12+$0x0] =	vst.idx.msk $0xffff, v2  }
0x92: {  	v10 =	vld [tilespmem:$0xF0];
	_ =	sdelay $0x4  }
0x93: {  	v10 =	vshll.u32 v10, $0x7  }
0x94: {  	s30 =	sshrl.u32 s18, $0x3;
	v10 =	vor.u32 v9, v10  }
0x95: {  	s31 =	sadd.s32 $0x400, s19;
	s20 =	smul.u32 $0xFA000, s30  }
0x96: {  	s21 =	sand.u32 $0x1C00, s31  }
0x97: {  	s20 =	sor.u32 s21, s20  }
0x98: {  	s20 =	sshrl.u32 s20, $0x3  }
0x99: {  	s20 =	sadd.s32 s2, s20;
	[tilespmem:v10+s12+$0x0] =	vst.idx.msk $0xffff, v2  }
0x9a: {  	[hbm4b:s20+s13] =	stream.strided.scatter [tilespmem:s12], [sflag:$0x1], $0x1F400, s14, s13, $0x38;
	[tilespmem:$0x1F500] =	vst v63  }
0x9b: {  	_ =	swait.ge [sflag:s15], $0x1F400  }
0x9c: {  	[sflag:s15] =	ssyncset.done $0x0  }
0x9d: {  	[sflag:s15] =	ssyncadd.s32 $0xFFFE0C00  }
0x9e: {  	v10 =	vld [tilespmem:$0x80];
	_ =	sdelay $0x4  }
0x9f: {  	v10 =	vshll.u32 v10, $0x7  }
0xa0: {  	v10 =	vor.u32 v0, v10;
	_ =	sdelay $0x4  }
0xa1: {  	[tilespmem:v10+s12+$0x0] =	vst.idx.msk $0xffff, v1  }
0xa2: {  	v10 =	vld [tilespmem:$0x90];
	_ =	sdelay $0x4  }
0xa3: {  	v10 =	vshll.u32 v10, $0x7  }
0xa4: {  	v10 =	vor.u32 v3, v10;
	_ =	sdelay $0x4  }
0xa5: {  	[tilespmem:v10+s12+$0x0] =	vst.idx.msk $0xffff, v1  }
0xa6: {  	v10 =	vld [tilespmem:$0xA0];
	_ =	sdelay $0x4  }
0xa7: {  	v10 =	vshll.u32 v10, $0x7  }
0xa8: {  	v10 =	vor.u32 v4, v10;
	_ =	sdelay $0x4  }
0xa9: {  	[tilespmem:v10+s12+$0x0] =	vst.idx.msk $0xffff, v1  }
0xaa: {  	v10 =	vld [tilespmem:$0xB0];
	_ =	sdelay $0x4  }
0xab: {  	v10 =	vshll.u32 v10, $0x7  }
0xac: {  	v10 =	vor.u32 v5, v10;
	_ =	sdelay $0x4  }
0xad: {  	[tilespmem:v10+s12+$0x0] =	vst.idx.msk $0xffff, v1  }
0xae: {  	v10 =	vld [tilespmem:$0xC0];
	_ =	sdelay $0x4  }
0xaf: {  	v10 =	vshll.u32 v10, $0x7  }
0xb0: {  	v10 =	vor.u32 v6, v10;
	_ =	sdelay $0x4  }
0xb1: {  	[tilespmem:v10+s12+$0x0] =	vst.idx.msk $0xffff, v1  }
0xb2: {  	v10 =	vld [tilespmem:$0xD0];
	_ =	sdelay $0x4  }
0xb3: {  	v10 =	vshll.u32 v10, $0x7  }
0xb4: {  	v10 =	vor.u32 v7, v10;
	_ =	sdelay $0x4  }
0xb5: {  	[tilespmem:v10+s12+$0x0] =	vst.idx.msk $0xffff, v1  }
0xb6: {  	v10 =	vld [tilespmem:$0xE0];
	_ =	sdelay $0x4  }
0xb7: {  	v10 =	vshll.u32 v10, $0x7  }
0xb8: {  	v10 =	vor.u32 v8, v10;
	_ =	sdelay $0x4  }
0xb9: {  	[tilespmem:v10+s12+$0x0] =	vst.idx.msk $0xffff, v1  }
0xba: {  	v10 =	vld [tilespmem:$0xF0];
	_ =	sdelay $0x4  }
0xbb: {  	v10 =	vshll.u32 v10, $0x7  }
0xbc: {  	v10 =	vor.u32 v9, v10  }
.Ltmp3:
0xbd: {  	_ = 	snop;
	(pc) =	sbr.rel @p0 .LBB2_6-.Ltmp3, $2  }
0xbe: {  	_ =	sdelay $0x2  }
0xbf: {  	[tilespmem:v10+s12+$0x0] =	vst.idx.msk $0xffff, v1  }
.Ltmp4:
0xc0: {  	(pc) =	sbr.rel .LBB2_4-.Ltmp4, $4  }
0xc1: {  	_ = 	snop  }
0xc2: {  	_ =	swait.ge [sflag:s10], $0x80  }
0xc3: {  	s17 =	sadd.s32 $0x20, s17;
	[sflag:s10] =	ssyncset.done $0x0  }
0xc4: {  	s19 =	sadd.s32 $0x800, s19;
	s18 =	sadd.s32 $0x2, s18;
	[sflag:s10] =	ssyncadd.s32 $0xFFFFFF80  }
.LBB2_7:
0xc5: {  	_ =	sfence.sel $0x180000  }
0xc6: {  	[bflag:$0x0] =	sbarrier.arrive $0xFFFF  }
0xc7: {  	p0 =	sne.s32 s1, $0x0;
	_ =	strace $0x90000047  }
0xc8: {  	s0 =	sadd.s32 @!p0 $0x100000, s0;
	[bflag:$0x2] =	sbarrier.arrive $0xFFFF  }
0xc9: {  	[sflag:s0] =	ssyncadd.tile.s32 @!p0 $0x1;
	_ =	shalt  }
.Lfunc_end2:
_tile_overlayer_lowered:
.L_overlay_start_2:
0xca: {  	(tag) =	ssettag $0x2  }
0xcb: {  	s0 =	rddreg [dreg:$0x0];
	s2 =	stileid.u32  }
0xcc: {  	s1 =	rddreg [dreg:$0x1];
	p0 =	sne.s32 s2, $0x0  }
0xcd: {  	s3 =	rddreg [dreg:$0x2];
	[bflag:$0x3] =	sbarrier.arrive $0xFFFF;
	s2 =	simm.s32 @!p0 $0x1C03  }
0xce: {  	[timem:s3], [sflag:s2] =	dma.local @!p0 [hbm:s0], s1  }
0xcf: {  	s0 =	simm.s32 @!p0 $0x3  }
0xd0: {  	_ =	swait.ge @!p0 [sflag:s0], s1  }
0xd1: {  	s1 =	ssub.s32 @!p0 $0x0, s1;
	[sflag:s0] =	ssyncset.done @!p0 $0x0  }
0xd2: {  	[sflag:s0] =	ssyncadd.s32 @!p0 s1  }
0xd3: {  	[bflag:$0x3] =	sbarrier.arrive $0xFFFF  }
0xd4: {  	_ =	shalt  }

</sc_bundles>
